<compile_context>
chip_gen: v7x
topology: tpu7x:2x2x1
jax: 0.10.2.dev20260603
libtpu: 0.0.44.dev20260713+nightly
codegen_flags: <defaults>
</compile_context>

<pallas_src>
import functools

import jax
import jax.numpy as jnp
from jax import lax
from jax.experimental import pallas as pl
from jax.experimental.pallas import tpu as pltpu
from jax.experimental.pallas import tpu_sc as plsc

VOCAB = 32
EMBED = 16
N_TOKENS = 4 * 8192

_info = plsc.get_sparse_core_info()
_NC, _NS, _L = 1, _info.num_subcores, _info.num_lanes
_NW = _NC * _NS
_TPW = N_TOKENS // _NW

_sc_mesh = plsc.VectorSubcoreMesh(
    core_axis_name="c", subcore_axis_name="s", num_cores=1
)


@functools.partial(
    pl.kernel,
    mesh=_sc_mesh,
    compiler_params=pltpu.CompilerParams(needs_layout_passes=False),
    out_type=jax.ShapeDtypeStruct((_NW, VOCAB, VOCAB), jnp.float32),
    scratch_types=[
        pltpu.VMEM((_TPW,), jnp.int32),
        pltpu.VMEM((_TPW,), jnp.int32),
        pltpu.VMEM((VOCAB, VOCAB), jnp.float32),
        pltpu.SemaphoreType.DMA,
        pltpu.SemaphoreType.DMA,
    ],
)
def _sc_pair_hist(idx_hbm, tgt_hbm, out_hbm, idx_v, tgt_v, hist_v, sem1, sem2):
    wid = lax.axis_index("s") * _NC + lax.axis_index("c")
    row = wid // (8192 // _TPW)
    col = (wid % (8192 // _TPW)) * _TPW
    cp_i = pltpu.async_copy(idx_hbm.at[row, pl.ds(col, _TPW)], idx_v, sem1)
    cp_t = pltpu.async_copy(tgt_hbm.at[row, pl.ds(col, _TPW)], tgt_v, sem2)

    zeros = jnp.zeros((_L,), jnp.float32)

    @plsc.parallel_loop(0, 2 * VOCAB, unroll=4)
    def _zero(i):
        r = i // 2
        c = (i % 2) * _L
        hist_v[r, pl.ds(c, _L)] = zeros

    cp_i.wait()
    cp_t.wait()

    ones = jnp.ones((_L,), jnp.float32)

    @plsc.parallel_loop(0, _TPW // _L, unroll=8)
    def _scatter(i):
        s = i * _L
        iv = idx_v[pl.ds(s, _L)]
        tv = tgt_v[pl.ds(s, _L)]
        plsc.addupdate_scatter(hist_v, [iv, tv], ones)
    pltpu.sync_copy(hist_v, out_hbm.at[wid])


def _combine_body(hist_ref, embed_ref, w_ref, b_ref, out_ref):
    hsum = jnp.sum(hist_ref[...], axis=0)
    table = (
        jnp.dot(embed_ref[...], w_ref[...], preferred_element_type=jnp.float32)
        + b_ref[...]
    )
    m = jnp.max(table, axis=1, keepdims=True)
    lse = m + jnp.log(jnp.sum(jnp.exp(table - m), axis=1, keepdims=True))
    nll = lse - table
    loss = jnp.sum(hsum * nll, keepdims=True) * (1.0 / N_TOKENS)
    out_ref[...] = loss.reshape(1, 1)


def _combine(hist, embed, W, b):
    return pl.pallas_call(
        _combine_body,
        out_shape=jax.ShapeDtypeStruct((1, 1), jnp.float32),
    )(hist, embed, W, b.reshape(1, VOCAB))


def kernel(idx, targets, embed, W, b):
    hist = _sc_pair_hist(idx, targets)
    return _combine(hist, embed, W, b).reshape(())

# --- scband reference (transcript-rebuilt; emitter-appended) ---
"""Pipeline reference for scband-model-with-kwargs-15848429322842 (READ-ONLY COPY).

The authoritative reference and input builder live on the scoring server;
editing this copy changes nothing except your own understanding.
"""

import jax, jax.numpy as jnp
import numpy as np

VOCAB = 32
EMBED = 16


def setup_inputs(seed: int = 0) -> dict:
    key = jax.random.key(seed)
    k1, k2, k3, k4, k5 = jax.random.split(key, 5)
    idx = jax.random.randint(k1, (4, 8192), 0, VOCAB, dtype=jnp.int32)
    targets = jax.random.randint(k2, (4, 8192), 0, VOCAB, dtype=jnp.int32)
    embed = jax.random.normal(k3, (VOCAB, EMBED), dtype=jnp.float32)
    W = jax.random.normal(k4, (EMBED, VOCAB), dtype=jnp.float32) * (1.0 / np.sqrt(EMBED))
    b = jax.random.normal(k5, (VOCAB,), dtype=jnp.float32) * 0.01
    return {"idx": idx, "targets": targets, "embed": embed, "W": W, "b": b}


def reference(idx, targets, embed, W, b):
    # x = self.embed(idx)
    x = jnp.take(embed, idx, axis=0)            # [B, S, 16]
    # logits = self.fc(x)
    logits = x @ W + b                           # [B, S, 32]
    # loss = F.cross_entropy(logits.view(-1, 32), targets.view(-1))
    logits2 = logits.reshape(-1, VOCAB)
    t = targets.reshape(-1)
    logp = jax.nn.log_softmax(logits2, axis=-1)
    nll = -jnp.take_along_axis(logp, t[:, None], axis=1)[:, 0]
    loss = jnp.mean(nll)
    return loss

if __name__ == "__main__":
    import jax
    _d = setup_inputs()
    print(jax.jit(kernel)(*tuple(_d.values())))

</pallas_src>

<mosaic_0001>
#map = affine_map<(d0, d1) -> (0, 0)>
#map1 = affine_map<(d0, d1) -> (0, 0, 0)>
module attributes {stable_mosaic.version = 14 : i64} {
  func.func @_sc_pair_hist(%arg0: i32, %arg1: i32, %arg2: memref<4x8192xi32, #tpu.memory_space<hbm>>, %arg3: memref<4x8192xi32, #tpu.memory_space<hbm>>, %arg4: memref<16x32x32xf32, #tpu.memory_space<hbm>>, %arg5: memref<2048xi32, #tpu.memory_space<vmem>>, %arg6: memref<2048xi32, #tpu.memory_space<vmem>>, %arg7: memref<32x32xf32, #tpu.memory_space<vmem>>, %arg8: memref<!tpu.dma_semaphore, #tpu.memory_space<semaphore_mem>>, %arg9: memref<!tpu.dma_semaphore, #tpu.memory_space<semaphore_mem>>) attributes {dimension_semantics = [#tpu.dimension_semantics<core_parallel>, #tpu.dimension_semantics<subcore_parallel>], iteration_bounds = array<i64: 1, 16>, scalar_prefetch = 0 : i64, scratch_operands = 5 : i64, tpu.core_type = #tpu.core_type<sc_vector_subcore>, window_params = [{transform_indices = #map}, {transform_indices = #map}, {transform_indices = #map1}]} {
    %mul3A = arith.constant 1 : i32
    %mul3A_0 = arith.muli %arg1, %mul3A : i32
    %add3A = arith.addi %mul3A_0, %arg0 : i32
    %jit3A = arith.constant 4 : i32
    %div3A = arith.divsi %add3A, %jit3A : i32
    %sign3A = arith.constant 0 : i32
    %sign3A_1 = arith.cmpi sgt, %add3A, %sign3A : i32
    %sign3A_2 = arith.extui %sign3A_1 : i1 to i32
    %sign3A_3 = arith.constant 0 : i32
    %sign3A_4 = arith.cmpi slt, %add3A, %sign3A_3 : i32
    %sign3A_5 = arith.extui %sign3A_4 : i1 to i32
    %sign3A_6 = arith.subi %sign3A_2, %sign3A_5 : i32
    %sign3A_7 = arith.constant 0 : i32
    %sign3A_8 = arith.cmpi sgt, %jit3A, %sign3A_7 : i32
    %sign3A_9 = arith.extui %sign3A_8 : i1 to i32
    %sign3A_10 = arith.constant 0 : i32
    %sign3A_11 = arith.cmpi slt, %jit3A, %sign3A_10 : i32
    %sign3A_12 = arith.extui %sign3A_11 : i1 to i32
    %sign3A_13 = arith.subi %sign3A_9, %sign3A_12 : i32
    %ne3A = arith.cmpi ne, %sign3A_6, %sign3A_13 : i32
    %rem3A = arith.remsi %add3A, %jit3A : i32
    %ne3A_14 = arith.constant 0 : i32
    %ne3A_15 = arith.cmpi ne, %rem3A, %ne3A_14 : i32
    %and3A = arith.andi %ne3A, %ne3A_15 : i1
    %sub3A = arith.constant 1 : i32
    %sub3A_16 = arith.subi %div3A, %sub3A : i32
    %select_n3A = arith.select %and3A, %sub3A_16, %div3A : i32
    %jit3A_17 = arith.constant 4 : i32
    %eq3A = arith.constant 0 : i32
    %eq3A_18 = arith.cmpi eq, %jit3A_17, %eq3A : i32
    %jit3A_19 = arith.constant 1 : i32
    %select_n3A_20 = arith.select %eq3A_18, %jit3A_19, %jit3A_17 : i32
    %rem3A_21 = arith.remsi %add3A, %select_n3A_20 : i32
    %ne3A_22 = arith.constant 0 : i32
    %ne3A_23 = arith.cmpi ne, %rem3A_21, %ne3A_22 : i32
    %lt3A = arith.constant 0 : i32
    %lt3A_24 = arith.cmpi slt, %rem3A_21, %lt3A : i32
    %lt3A_25 = arith.constant 0 : i32
    %lt3A_26 = arith.cmpi slt, %select_n3A_20, %lt3A_25 : i32
    %ne3A_27 = arith.xori %lt3A_24, %lt3A_26 : i1
    %and3A_28 = arith.andi %ne3A_27, %ne3A_23 : i1
    %add3A_29 = arith.addi %rem3A_21, %select_n3A_20 : i32
    %select_n3A_30 = arith.select %and3A_28, %add3A_29, %rem3A_21 : i32
    %mul3A_31 = arith.constant 2048 : i32
    %mul3A_32 = arith.muli %select_n3A_30, %mul3A_31 : i32
    %dma_start3A = tpu.memref_slice %arg2[%select_n3A, %mul3A_32] : memref<4x8192xi32, #tpu.memory_space<hbm>> -> memref<1x2048xi32, #tpu.memory_space<hbm>>
    %dma_start3A_33 = tpu.memref_squeeze %dma_start3A : memref<1x2048xi32, #tpu.memory_space<hbm>> -> memref<2048xi32, #tpu.memory_space<hbm>>
    %dma_start3A_34 = tpu.memref_slice %arg2[%select_n3A, %mul3A_32] : memref<4x8192xi32, #tpu.memory_space<hbm>> -> memref<1x2048xi32, #tpu.memory_space<hbm>>
    %dma_start3A_35 = tpu.memref_squeeze %dma_start3A_34 : memref<1x2048xi32, #tpu.memory_space<hbm>> -> memref<2048xi32, #tpu.memory_space<hbm>>
    tpu.enqueue_dma source(%dma_start3A_35 : memref<2048xi32, #tpu.memory_space<hbm>>) target(%arg5 : memref<2048xi32, #tpu.memory_space<vmem>>) target_semaphore(%arg8 : memref<!tpu.dma_semaphore, #tpu.memory_space<semaphore_mem>>)
    %dma_start3A_36 = tpu.memref_slice %arg3[%select_n3A, %mul3A_32] : memref<4x8192xi32, #tpu.memory_space<hbm>> -> memref<1x2048xi32, #tpu.memory_space<hbm>>
    %dma_start3A_37 = tpu.memref_squeeze %dma_start3A_36 : memref<1x2048xi32, #tpu.memory_space<hbm>> -> memref<2048xi32, #tpu.memory_space<hbm>>
    %dma_start3A_38 = tpu.memref_slice %arg3[%select_n3A, %mul3A_32] : memref<4x8192xi32, #tpu.memory_space<hbm>> -> memref<1x2048xi32, #tpu.memory_space<hbm>>
    %dma_start3A_39 = tpu.memref_squeeze %dma_start3A_38 : memref<1x2048xi32, #tpu.memory_space<hbm>> -> memref<2048xi32, #tpu.memory_space<hbm>>
    tpu.enqueue_dma source(%dma_start3A_39 : memref<2048xi32, #tpu.memory_space<hbm>>) target(%arg6 : memref<2048xi32, #tpu.memory_space<vmem>>) target_semaphore(%arg9 : memref<!tpu.dma_semaphore, #tpu.memory_space<semaphore_mem>>)
    %broadcast_in_dim3A = arith.constant 0.000000e+00 : f32
    %broadcast_in_dim3A_40 = vector.broadcast %broadcast_in_dim3A : f32 to vector<16xf32>
    %parallel_loop3A = arith.constant 0 : i32
    %parallel_loop3A_41 = arith.constant 64 : i32
    %parallel_loop3A_42 = arith.constant 1 : i32
    scf.for %parallel_loop3A_55 = %parallel_loop3A to %parallel_loop3A_41 step %parallel_loop3A_42  : i32 {
      %parallel_loop3A_56 = arith.constant 2 : i32
      %parallel_loop3A_57 = arith.divsi %parallel_loop3A_55, %parallel_loop3A_56 : i32
      %parallel_loop3A_58 = arith.constant 0 : i32
      %parallel_loop3A_59 = arith.cmpi sgt, %parallel_loop3A_55, %parallel_loop3A_58 : i32
      %parallel_loop3A_60 = arith.extui %parallel_loop3A_59 : i1 to i32
      %parallel_loop3A_61 = arith.constant 0 : i32
      %parallel_loop3A_62 = arith.cmpi slt, %parallel_loop3A_55, %parallel_loop3A_61 : i32
      %parallel_loop3A_63 = arith.extui %parallel_loop3A_62 : i1 to i32
      %parallel_loop3A_64 = arith.subi %parallel_loop3A_60, %parallel_loop3A_63 : i32
      %parallel_loop3A_65 = arith.constant 0 : i32
      %parallel_loop3A_66 = arith.cmpi sgt, %parallel_loop3A_56, %parallel_loop3A_65 : i32
      %parallel_loop3A_67 = arith.extui %parallel_loop3A_66 : i1 to i32
      %parallel_loop3A_68 = arith.constant 0 : i32
      %parallel_loop3A_69 = arith.cmpi slt, %parallel_loop3A_56, %parallel_loop3A_68 : i32
      %parallel_loop3A_70 = arith.extui %parallel_loop3A_69 : i1 to i32
      %parallel_loop3A_71 = arith.subi %parallel_loop3A_67, %parallel_loop3A_70 : i32
      %parallel_loop3A_72 = arith.cmpi ne, %parallel_loop3A_64, %parallel_loop3A_71 : i32
      %parallel_loop3A_73 = arith.remsi %parallel_loop3A_55, %parallel_loop3A_56 : i32
      %parallel_loop3A_74 = arith.constant 0 : i32
      %parallel_loop3A_75 = arith.cmpi ne, %parallel_loop3A_73, %parallel_loop3A_74 : i32
      %parallel_loop3A_76 = arith.andi %parallel_loop3A_72, %parallel_loop3A_75 : i1
      %parallel_loop3A_77 = arith.constant 1 : i32
      %parallel_loop3A_78 = arith.subi %parallel_loop3A_57, %parallel_loop3A_77 : i32
      %parallel_loop3A_79 = arith.select %parallel_loop3A_76, %parallel_loop3A_78, %parallel_loop3A_57 : i32
      %parallel_loop3A_80 = arith.constant 2 : i32
      %parallel_loop3A_81 = arith.constant 0 : i32
      %parallel_loop3A_82 = arith.cmpi eq, %parallel_loop3A_80, %parallel_loop3A_81 : i32
      %parallel_loop3A_83 = arith.constant 1 : i32
      %parallel_loop3A_84 = arith.select %parallel_loop3A_82, %parallel_loop3A_83, %parallel_loop3A_80 : i32
      %parallel_loop3A_85 = arith.remsi %parallel_loop3A_55, %parallel_loop3A_84 : i32
      %parallel_loop3A_86 = arith.constant 0 : i32
      %parallel_loop3A_87 = arith.cmpi ne, %parallel_loop3A_85, %parallel_loop3A_86 : i32
      %parallel_loop3A_88 = arith.constant 0 : i32
      %parallel_loop3A_89 = arith.cmpi slt, %parallel_loop3A_85, %parallel_loop3A_88 : i32
      %parallel_loop3A_90 = arith.constant 0 : i32
      %parallel_loop3A_91 = arith.cmpi slt, %parallel_loop3A_84, %parallel_loop3A_90 : i32
      %parallel_loop3A_92 = arith.xori %parallel_loop3A_89, %parallel_loop3A_91 : i1
      %parallel_loop3A_93 = arith.andi %parallel_loop3A_92, %parallel_loop3A_87 : i1
      %parallel_loop3A_94 = arith.addi %parallel_loop3A_85, %parallel_loop3A_84 : i32
      %parallel_loop3A_95 = arith.select %parallel_loop3A_93, %parallel_loop3A_94, %parallel_loop3A_85 : i32
      %parallel_loop3A_96 = arith.constant 16 : i32
      %parallel_loop3A_97 = arith.muli %parallel_loop3A_95, %parallel_loop3A_96 : i32
      %parallel_loop3A_98 = arith.index_cast %parallel_loop3A_79 : i32 to index
      %parallel_loop3A_99 = arith.index_cast %parallel_loop3A_97 : i32 to index
      %parallel_loop3A_100 = tpu.vector_load %arg7[%parallel_loop3A_98, %parallel_loop3A_99] {strides = array<i32>} : memref<32x32xf32, #tpu.memory_space<vmem>>, vector<16xf32>,
      tpu.vector_store %arg7[%parallel_loop3A_98, %parallel_loop3A_99], %broadcast_in_dim3A_40 {strides = array<i32>} : memref<32x32xf32, #tpu.memory_space<vmem>>, vector<16xf32>,
    } {sc.loop_unroll_factor = 4 : i64, sc.parallel_access}
    %dma_wait3A = tpu.memref_slice %arg2[%select_n3A, %mul3A_32] : memref<4x8192xi32, #tpu.memory_space<hbm>> -> memref<1x2048xi32, #tpu.memory_space<hbm>>
    %dma_wait3A_43 = tpu.memref_squeeze %dma_wait3A : memref<1x2048xi32, #tpu.memory_space<hbm>> -> memref<2048xi32, #tpu.memory_space<hbm>>
    %dma_wait3A_44 = tpu.memref_slice %arg2[%select_n3A, %mul3A_32] : memref<4x8192xi32, #tpu.memory_space<hbm>> -> memref<1x2048xi32, #tpu.memory_space<hbm>>
    %dma_wait3A_45 = tpu.memref_squeeze %dma_wait3A_44 : memref<1x2048xi32, #tpu.memory_space<hbm>> -> memref<2048xi32, #tpu.memory_space<hbm>>
    tpu.wait_dma2 semaphore(%arg8 : memref<!tpu.dma_semaphore, #tpu.memory_space<semaphore_mem>>) src(%dma_wait3A_45 : memref<2048xi32, #tpu.memory_space<hbm>>) dst(%arg5 : memref<2048xi32, #tpu.memory_space<vmem>>)
    %dma_wait3A_46 = tpu.memref_slice %arg3[%select_n3A, %mul3A_32] : memref<4x8192xi32, #tpu.memory_space<hbm>> -> memref<1x2048xi32, #tpu.memory_space<hbm>>
    %dma_wait3A_47 = tpu.memref_squeeze %dma_wait3A_46 : memref<1x2048xi32, #tpu.memory_space<hbm>> -> memref<2048xi32, #tpu.memory_space<hbm>>
    %dma_wait3A_48 = tpu.memref_slice %arg3[%select_n3A, %mul3A_32] : memref<4x8192xi32, #tpu.memory_space<hbm>> -> memref<1x2048xi32, #tpu.memory_space<hbm>>
    %dma_wait3A_49 = tpu.memref_squeeze %dma_wait3A_48 : memref<1x2048xi32, #tpu.memory_space<hbm>> -> memref<2048xi32, #tpu.memory_space<hbm>>
    tpu.wait_dma2 semaphore(%arg9 : memref<!tpu.dma_semaphore, #tpu.memory_space<semaphore_mem>>) src(%dma_wait3A_49 : memref<2048xi32, #tpu.memory_space<hbm>>) dst(%arg6 : memref<2048xi32, #tpu.memory_space<vmem>>)
    %broadcast_in_dim3A_50 = arith.constant 1.000000e+00 : f32
    %broadcast_in_dim3A_51 = vector.broadcast %broadcast_in_dim3A_50 : f32 to vector<16xf32>
    %parallel_loop3A_52 = arith.constant 0 : i32
    %parallel_loop3A_53 = arith.constant 128 : i32
    %parallel_loop3A_54 = arith.constant 1 : i32
    scf.for %parallel_loop3A_55 = %parallel_loop3A_52 to %parallel_loop3A_53 step %parallel_loop3A_54  : i32 {
      %parallel_loop3A_56 = arith.constant 16 : i32
      %parallel_loop3A_57 = arith.muli %parallel_loop3A_55, %parallel_loop3A_56 : i32
      %parallel_loop3A_58 = arith.index_cast %parallel_loop3A_57 : i32 to index
      %parallel_loop3A_59 = tpu.vector_load %arg5[%parallel_loop3A_58] {strides = array<i32>} : memref<2048xi32, #tpu.memory_space<vmem>>, vector<16xi32>,
      %parallel_loop3A_60 = arith.index_cast %parallel_loop3A_57 : i32 to index
      %parallel_loop3A_61 = tpu.vector_load %arg6[%parallel_loop3A_60] {strides = array<i32>} : memref<2048xi32, #tpu.memory_space<vmem>>, vector<16xi32>,
      tpu.vector_store_idx %arg7[%parallel_loop3A_59, %parallel_loop3A_61], %broadcast_in_dim3A_51 {add = true} : memref<32x32xf32, #tpu.memory_space<vmem>>[vector<16xi32>, vector<16xi32>], vector<16xf32>,
    } {sc.loop_unroll_factor = 8 : i64, sc.parallel_access}
    "tpu.region"() ({
      %run_scoped3A = tpu.sem_alloc : memref<!tpu.dma_semaphore, #tpu.memory_space<semaphore_mem>>
      %dma_start3A_55 = arith.constant 0 : i32
      %dma_start3A_56 = arith.constant 0 : i32
      %dma_start3A_57 = tpu.memref_slice %arg4[%add3A, %dma_start3A_55, %dma_start3A_56] : memref<16x32x32xf32, #tpu.memory_space<hbm>> -> memref<1x32x32xf32, #tpu.memory_space<hbm>>
      %dma_start3A_58 = tpu.memref_squeeze %dma_start3A_57 : memref<1x32x32xf32, #tpu.memory_space<hbm>> -> memref<32x32xf32, #tpu.memory_space<hbm>>
      %dma_start3A_59 = arith.constant 0 : i32
      %dma_start3A_60 = arith.constant 0 : i32
      %dma_start3A_61 = tpu.memref_slice %arg4[%add3A, %dma_start3A_59, %dma_start3A_60] : memref<16x32x32xf32, #tpu.memory_space<hbm>> -> memref<1x32x32xf32, #tpu.memory_space<hbm>>
      %dma_start3A_62 = tpu.memref_squeeze %dma_start3A_61 : memref<1x32x32xf32, #tpu.memory_space<hbm>> -> memref<32x32xf32, #tpu.memory_space<hbm>>
      tpu.enqueue_dma source(%arg7 : memref<32x32xf32, #tpu.memory_space<vmem>>) target(%dma_start3A_62 : memref<32x32xf32, #tpu.memory_space<hbm>>) target_semaphore(%run_scoped3A : memref<!tpu.dma_semaphore, #tpu.memory_space<semaphore_mem>>)
      %dma_wait3A_63 = arith.constant 0 : i32
      %dma_wait3A_64 = arith.constant 0 : i32
      %dma_wait3A_65 = tpu.memref_slice %arg4[%add3A, %dma_wait3A_63, %dma_wait3A_64] : memref<16x32x32xf32, #tpu.memory_space<hbm>> -> memref<1x32x32xf32, #tpu.memory_space<hbm>>
      %dma_wait3A_66 = tpu.memref_squeeze %dma_wait3A_65 : memref<1x32x32xf32, #tpu.memory_space<hbm>> -> memref<32x32xf32, #tpu.memory_space<hbm>>
      %dma_wait3A_67 = arith.constant 0 : i32
      %dma_wait3A_68 = arith.constant 0 : i32
      %dma_wait3A_69 = tpu.memref_slice %arg4[%add3A, %dma_wait3A_67, %dma_wait3A_68] : memref<16x32x32xf32, #tpu.memory_space<hbm>> -> memref<1x32x32xf32, #tpu.memory_space<hbm>>
      %dma_wait3A_70 = tpu.memref_squeeze %dma_wait3A_69 : memref<1x32x32xf32, #tpu.memory_space<hbm>> -> memref<32x32xf32, #tpu.memory_space<hbm>>
      tpu.wait_dma2 semaphore(%run_scoped3A : memref<!tpu.dma_semaphore, #tpu.memory_space<semaphore_mem>>) src(%arg7 : memref<32x32xf32, #tpu.memory_space<vmem>>) dst(%dma_wait3A_70 : memref<32x32xf32, #tpu.memory_space<hbm>>)
      tpu.yield
    }) : () -> ()
    return
  }
}

module attributes {stable_mosaic.version = 14 : i64} {
  func.func @_combine_body(%arg0: memref<16x32x32xf32, #tpu.memory_space<vmem>>, %arg1: memref<32x16xf32, #tpu.memory_space<vmem>>, %arg2: memref<16x32xf32, #tpu.memory_space<vmem>>, %arg3: memref<1x32xf32, #tpu.memory_space<vmem>>, %arg4: memref<1x1xf32, #tpu.memory_space<vmem>>) attributes {dimension_semantics = [], scalar_prefetch = 0 : i64, scratch_operands = 0 : i64, tpu.core_type = #tpu.core_type<tc>} {
    %get3A = arith.constant 0 : index
    %get3A_0 = arith.constant 0 : index
    %get3A_1 = arith.constant 0 : index
    %get3A_2 = vector.load %arg0[%get3A, %get3A_0, %get3A_1] : memref<16x32x32xf32, #tpu.memory_space<vmem>>, vector<16x32x32xf32>
    %reduce_sum3A = arith.constant dense<0.000000e+00> : vector<32x32xf32>
    %reduce_sum3A_3 = vector.multi_reduction <add>, %get3A_2, %reduce_sum3A [0] : vector<16x32x32xf32> to vector<32x32xf32>
    %get3A_4 = arith.constant 0 : index
    %get3A_5 = arith.constant 0 : index
    %get3A_6 = vector.load %arg1[%get3A_4, %get3A_5] : memref<32x16xf32, #tpu.memory_space<vmem>>, vector<32x16xf32>
    %get3A_7 = arith.constant 0 : index
    %get3A_8 = arith.constant 0 : index
    %get3A_9 = vector.load %arg2[%get3A_7, %get3A_8] : memref<16x32xf32, #tpu.memory_space<vmem>>, vector<16x32xf32>
    %dot_general3A = arith.constant dense<0.000000e+00> : vector<32x32xf32>
    %dot_general3A_10 = tpu.matmul %get3A_6, %get3A_9, %dot_general3A {dimension_numbers = #tpu.dot_dimension_numbers<[1], [0], [0], [1], [0, 0, 1, 1], [], []>, transpose_lhs_hint = false} : vector<32x16xf32>, vector<16x32xf32>, vector<32x32xf32> -> vector<32x32xf32>
    %get3A_11 = arith.constant 0 : index
    %get3A_12 = arith.constant 0 : index
    %get3A_13 = vector.load %arg3[%get3A_11, %get3A_12] : memref<1x32xf32, #tpu.memory_space<vmem>>, vector<1x32xf32>
    %add3A = vector.broadcast %get3A_13 : vector<1x32xf32> to vector<32x32xf32>
    %add3A_14 = arith.addf %dot_general3A_10, %add3A : vector<32x32xf32>
    %reduce_max3A = arith.constant dense<0xFF800000> : vector<32xf32>
    %reduce_max3A_15 = vector.multi_reduction <maximumf>, %add3A_14, %reduce_max3A [1] : vector<32x32xf32> to vector<32xf32>
    %broadcast_in_dim3A = vector.shape_cast %reduce_max3A_15 : vector<32xf32> to vector<32x1xf32>
    %sub3A = vector.broadcast %broadcast_in_dim3A : vector<32x1xf32> to vector<32x32xf32>
    %sub3A_16 = arith.subf %add3A_14, %sub3A : vector<32x32xf32>
    %exp3A = math.exp %sub3A_16 : vector<32x32xf32>
    %reduce_sum3A_17 = arith.constant dense<0.000000e+00> : vector<32xf32>
    %reduce_sum3A_18 = vector.multi_reduction <add>, %exp3A, %reduce_sum3A_17 [1] : vector<32x32xf32> to vector<32xf32>
    %broadcast_in_dim3A_19 = vector.shape_cast %reduce_sum3A_18 : vector<32xf32> to vector<32x1xf32>
    %log3A = math.log %broadcast_in_dim3A_19 : vector<32x1xf32>
    %add3A_20 = arith.addf %broadcast_in_dim3A, %log3A : vector<32x1xf32>
    %sub3A_21 = vector.broadcast %add3A_20 : vector<32x1xf32> to vector<32x32xf32>
    %sub3A_22 = arith.subf %sub3A_21, %add3A_14 : vector<32x32xf32>
    %mul3A = arith.mulf %reduce_sum3A_3, %sub3A_22 : vector<32x32xf32>
    %reduce_sum3A_23 = vector.shape_cast %mul3A : vector<32x32xf32> to vector<1x32x32xf32>
    %reduce_sum3A_24 = arith.constant dense<0.000000e+00> : vector<1xf32>
    %reduce_sum3A_25 = vector.multi_reduction <add>, %reduce_sum3A_23, %reduce_sum3A_24 [1, 2] : vector<1x32x32xf32> to vector<1xf32>
    %reduce_sum3A_26 = vector.shape_cast %reduce_sum3A_25 : vector<1xf32> to vector<1x1x1xf32>
    %reduce_sum3A_27 = vector.extract %reduce_sum3A_26[0, 0, 0] : f32 from vector<1x1x1xf32>
    %broadcast_in_dim3A_28 = vector.broadcast %reduce_sum3A_27 : f32 to vector<1x1xf32>
    %mul3A_29 = arith.constant 3.05175781E-5 : f32
    %mul3A_30 = vector.broadcast %mul3A_29 : f32 to vector<1x1xf32>
    %mul3A_31 = arith.mulf %broadcast_in_dim3A_28, %mul3A_30 : vector<1x1xf32>
    %swap3A = arith.constant 0 : index
    %swap3A_32 = arith.constant 0 : index
    %swap3A_33 = vector.load %arg4[%swap3A, %swap3A_32] : memref<1x1xf32, #tpu.memory_space<vmem>>, vector<1x1xf32>
    tpu.vector_store %arg4[%swap3A, %swap3A_32], %mul3A_31 {strides = array<i32>} : memref<1x1xf32, #tpu.memory_space<vmem>>, vector<1x1xf32>,
    return
  }
}

</mosaic_0001>

<sc_bundles>
// kernel: kernel.4.cloned.1.call-start
scs
__scs_entry_jumppad:
0x0: {  	(pc) =	sbr.rel $0x88, $3  }
0x1: {  	(tag) =	ssettag $0x0;
	lr =	simm.s32 $0x1  }
0x2: {  	[smem:$0x3F9C] =	sst lr;
	_ =	strace $0xD0000000  }
0x3: {  	_ = 	snop  }
0x4: {  	_ = 	snop  }
0x5: {  	_ = 	snop  }
0x6: {  	_ = 	snop  }
0x7: {  	_ = 	snop  }
__scs_overlays_trampoline_lowered:
0x8: {  	[smem:$0x3FAB] =	sst s0  }
0x9: {  	[smem:$0x3FAC] =	sst s1  }
0xa: {  	[smem:$0x3FAD] =	sst s2  }
0xb: {  	[smem:$0x3FAE] =	sst s3  }
0xc: {  	[smem:$0x3FAF] =	sst s4  }
0xd: {  	[smem:$0x3FB0] =	sst s5  }
0xe: {  	[smem:$0x3FB1] =	sst s6  }
0xf: {  	[smem:$0x3FB2] =	sst s7  }
0x10: {  	[smem:$0x3FB3] =	sst s8  }
0x11: {  	[smem:$0x3FB4] =	sst s9;
	s0 =	simm.s32 @!p0 $0x0  }
0x12: {  	s1 =	sld [smem:$0x3F9A];
	s0 =	simm.s32 @p0 $0x1  }
0x13: {  	[smem:$0x3FB5] =	sst s0;
	s0 =	simm.s32 @!p1 $0x0  }
0x14: {  	s2 =	sld [smem:$0x3F99];
	s0 =	simm.s32 @p1 $0x1  }
0x15: {  	[smem:$0x3FB6] =	sst s0;
	s0 =	simm.s32 @!p2 $0x0  }
0x16: {  	s3 =	sld [smem:$0x3FDB];
	s0 =	simm.s32 @p2 $0x1  }
0x17: {  	s4 =	simm.s32 $0x1BF5;
	[smem:$0x3FB8] =	sst s0  }
0x18: {  	s0 =	sld [smem:$0x3F9B];
	_ =	swait.ge [sflag:s4], $0x0  }
0x19: {  	s7 =	sld [smem:$0x3F9C]  }
0x1a: {  	s8 =	sadd.s32 $0xFFFFE003, lr  }
0x1b: {  	s9 =	sadd.s32 $0xFFFFFEF7, lr;
	s5 =	simm.s32 $0xFFFFFFFF;
	p2 =	slt.u32 s8, $0xFFFFF086  }
0x1c: {  	p1 =	slt.u32 s9, $0xF7A;
	s5 =	simm.s32 @!p2 $0x0  }
0x1d: {  	s5 =	simm.s32 @p1 $0x1;
	p0 =	seq.s32 s7, s2  }
0x1e: {  	s7 =	smul.u32 @!p0 $0xF7A, s2;
	p2 =	seq.s32 @!p0 s5, $0x0  }
0x1f: {  	s9 =	smul.u32 $0xF7A, s1;
	s8 =	simm.s32 @!p0 $0x1BF5;
	p2 =	por !p2, p0  }
0x20: {  	[sflag:s8] =	ssyncset.s32 @!p0 $0xFFFFF086;
	s6 =	sadd.s32 @!p0 s3, s7;
	s7 =	simm.s32 @!p0 $0x108  }
0x21: {  	s3 =	sadd.s32 s3, s9;
	s6 =	sadd.s32 @!p0 $0x88, s6;
	s7 =	simm.s32 @p2 $0x1082  }
0x22: {  	[simem:s7], [sflag:s8] =	dma.local @!p0 [hbm:s6], $0xF7A  }
0x23: {  	s9 =	sor.u32 $0xD0000000, s2;
	s6 =	simm.s32 $0x108;
	_ =	swait.ge @!p0 [sflag:s8], $0x0  }
0x24: {  	s3 =	sadd.s32 $0x88, s3;
	s6 =	simm.s32 @!p1 $0x1082;
	[sflag:s4] =	ssyncset.s32 $0xFFFFF086  }
0x25: {  	[simem:s6], [sflag:s4] =	dma.local [hbm:s3], $0xF7A  }
0x26: {  	[smem:$0x3F9C] =	sst s1;
	(tag) =	ssettag s2;
	_ =	strace s9  }
0x27: {  	s1 =	sld [smem:$0x3FAC]  }
0x28: {  	s2 =	sld [smem:$0x3FAD]  }
0x29: {  	s4 =	sld [smem:$0x3FAF]  }
0x2a: {  	p0 =	seq.s32 s5, $0x0;
	s5 =	sld [smem:$0x3FB0]  }
0x2b: {  	s6 =	sld [smem:$0x3FB1]  }
0x2c: {  	s7 =	sld [smem:$0x3FB2]  }
0x2d: {  	s3 =	simm.s32 $0x108;
	s8 =	sld [smem:$0x3FB3]  }
0x2e: {  	s3 =	simm.s32 @!p0 $0x1082;
	s9 =	sld [smem:$0x3FB4]  }
0x2f: {  	lr =	sadd.s32 s0, s3;
	s0 =	sld [smem:$0x3FAB]  }
0x30: {  	s3 =	sld [smem:$0x3FAE]  }
0x31: {  	[smem:$0x3FB7] =	sst s10  }
0x32: {  	s10 =	sld [smem:$0x3FB5];
	_ =	sdelay $0x3  }
0x33: {  	p0 =	seq.s32 s10, $0x1;
	s10 =	sld [smem:$0x3FB7];
	_ =	sdelay $0x3  }
0x34: {  	[smem:$0x3FB7] =	sst s10  }
0x35: {  	s10 =	sld [smem:$0x3FB6];
	_ =	sdelay $0x3  }
0x36: {  	p1 =	seq.s32 s10, $0x1;
	s10 =	sld [smem:$0x3FB7];
	_ =	sdelay $0x3  }
0x37: {  	[smem:$0x3FB7] =	sst s10  }
0x38: {  	s10 =	sld [smem:$0x3FB8]  }
0x39: {  	_ = 	snop;
	(pc) =	sbr.ind lr, $3  }
0x3a: {  	_ = 	snop  }
0x3b: {  	_ = 	snop  }
0x3c: {  	p2 =	seq.s32 s10, $0x1;
	s10 =	sld [smem:$0x3FB7]  }
0x3d: {  	_ =	shalt  }
0x3e: {  	_ =	shalt  }
0x3f: {  	_ =	shalt  }
0x40: {  	_ =	shalt  }
0x41: {  	_ =	shalt  }
0x42: {  	_ =	shalt  }
0x43: {  	_ =	shalt  }
0x44: {  	_ =	shalt  }
0x45: {  	_ =	shalt  }
0x46: {  	_ =	shalt  }
0x47: {  	_ =	shalt  }
0x48: {  	_ =	shalt  }
0x49: {  	_ =	shalt  }
0x4a: {  	_ =	shalt  }
0x4b: {  	_ =	shalt  }
0x4c: {  	_ =	shalt  }
0x4d: {  	_ =	shalt  }
0x4e: {  	_ =	shalt  }
0x4f: {  	_ =	shalt  }
0x50: {  	_ =	shalt  }
0x51: {  	_ =	shalt  }
0x52: {  	_ =	shalt  }
0x53: {  	_ =	shalt  }
0x54: {  	_ =	shalt  }
0x55: {  	_ =	shalt  }
0x56: {  	_ =	shalt  }
0x57: {  	_ =	shalt  }
0x58: {  	_ =	shalt  }
0x59: {  	_ =	shalt  }
0x5a: {  	_ =	shalt  }
0x5b: {  	_ =	shalt  }
0x5c: {  	_ =	shalt  }
0x5d: {  	_ =	shalt  }
0x5e: {  	_ =	shalt  }
0x5f: {  	_ =	shalt  }
0x60: {  	_ =	shalt  }
0x61: {  	_ =	shalt  }
0x62: {  	_ =	shalt  }
0x63: {  	_ =	shalt  }
0x64: {  	_ =	shalt  }
0x65: {  	_ =	shalt  }
0x66: {  	_ =	shalt  }
0x67: {  	_ =	shalt  }
0x68: {  	_ =	shalt  }
0x69: {  	_ =	shalt  }
0x6a: {  	_ =	shalt  }
0x6b: {  	_ =	shalt  }
0x6c: {  	_ =	shalt  }
0x6d: {  	_ =	shalt  }
0x6e: {  	_ =	shalt  }
0x6f: {  	_ =	shalt  }
0x70: {  	_ =	shalt  }
0x71: {  	_ =	shalt  }
0x72: {  	_ =	shalt  }
0x73: {  	_ =	shalt  }
0x74: {  	_ =	shalt  }
0x75: {  	_ =	shalt  }
0x76: {  	_ =	shalt  }
0x77: {  	_ =	shalt  }
0x78: {  	_ =	shalt  }
0x79: {  	_ =	shalt  }
0x7a: {  	_ =	shalt  }
0x7b: {  	_ =	shalt  }
0x7c: {  	_ =	shalt  }
0x7d: {  	_ =	shalt  }
0x7e: {  	_ =	shalt  }
0x7f: {  	_ =	shalt  }
0x80: {  	_ =	shalt  }
0x81: {  	_ =	shalt  }
0x82: {  	_ =	shalt  }
0x83: {  	_ =	shalt  }
0x84: {  	_ =	shalt  }
0x85: {  	_ =	shalt  }
0x86: {  	_ =	shalt  }
0x87: {  	_ =	shalt  }
.Lfunc_end0:
.L_simem_size_0:
called_computation_lowered:
.L_overlay_start_0:
0x88: {  	s0 =	sld [smem:$0x3FD9]  }
0x89: {  	s1 =	sld [smem:$0x3FFE];
	_ =	sdelay $0x3  }
0x8a: {  	s0 =	sadd.s32 s1, s0  }
0x8b: {  	[smem:$0x3FC3] =	sst s0  }
0x8c: {  	_ = 	snop  }
0x8d: {  	s0 =	sld [smem:$0x3FC9]  }
0x8e: {  	s16 =	sld [smem:$0x3FC8];
	(tm) =	ssettm $0x1  }
0x8f: {  	s2 =	sld [smem:$0x3FFB];
	_ =	sdelay $0x3  }
0x90: {  	_ =	strace s2  }
0x91: {  	s2 =	sld [smem:$0x3FFC];
	_ =	sdelay $0x3  }
0x92: {  	_ =	strace s2  }
0x93: {  	s2 =	sld [smem:$0x3FFD];
	_ =	sdelay $0x3  }
0x94: {  	_ =	strace s2  }
0x95: {  	_ =	strace $0x8FFFFFFF  }
0x96: {  	s17 =	sld [smem:$0x3FDB];
	_ =	sdelay $0x1  }
0x97: {  	s3 =	simm.s32 $_scs_section_size  }
0x98: {  	s4 =	simm.s32 $_size__tile_overlayer_lowered;
	s5 =	simm.s32 $_tile_overlayer_lowered  }
0x99: {  	s20 =	simm.s32 $0x1BFF;
	s19 =	sshll.u32 s5, $0x1;
	s2 =	sadd.s32 s3, s17  }
0x9a: {  	s6 =	simm.s32 $0x0;
	s18 =	sshll.u32 s4, $0x1;
	s4 =	sadd.s32 s19, s2  }
0x9b: {  	[timem:s6], [sflag:s20] =	dma.local [hbm:s4], s18  }
0x9c: {  	_ =	swait.ge [sflag:s20], s18  }
0x9d: {  	s3 =	ssub.s32 $0x0, s18;
	[sflag:s20] =	ssyncset.done $0x0  }
0x9e: {  	[sflag:s20] =	ssyncadd.s32 s3;
	_ =	sdelay $0x1  }
0x9f: {  	s21 =	simm.s32 $0x1B8B  }
0xa0: {  	_ =	swait.ge [sflag:s21], $0x1  }
0xa1: {  	[sflag:s21] =	ssyncset.done $0x0  }
0xa2: {  	s23 =	simm.s32 $0x1B8E;
	s22 =	sld [smem:$0x3FFE];
	[sflag:s21] =	ssyncadd.s32 $0xFFFFFFFF  }
0xa3: {  	s24 =	simm.s32 $execute0_lowered;
	[smem:$0x3FD2] =	sst s23  }
0xa4: {  	s4 =	sshll.u32 s24, $0x1;
	_ =	strace $0x80000046;
	[dreg:$0x1] =	wrdreg $0xFFFFFFFF  }
0xa5: {  	s25 =	simm.s32 $_size_execute0_lowered;
	s2 =	sadd.s32 s2, s4;
	[dreg:$0x0] =	wrdreg $0x0  }
0xa6: {  	s4 =	sshll.u32 s25, $0x1;
	[dreg:$0x2] =	wrdreg s2  }
0xa7: {  	[dreg:$0x3] =	wrdreg s4  }
0xa8: {  	[dreg:$0x4] =	wrdreg $0xC0  }
0xa9: {  	_ =	task [dreg:s6], $0x5FFFF  }
0xaa: {  	[dreg:$0x1] =	wrdreg $0xFFFFFFFF  }
0xab: {  	[dreg:$0x0] =	wrdreg $0x60  }
0xac: {  	[dreg:$0x2] =	wrdreg s0  }
0xad: {  	[dreg:$0x3] =	wrdreg s16  }
0xae: {  	[dreg:$0x4] =	wrdreg s22  }
0xaf: {  	[dreg:$0x5] =	wrdreg $0x9  }
0xb0: {  	_ =	task.clear_ibuf [dreg:s6], $0x6FFFF;
	_ =	strace $0x90000046  }
0xb1: {  	s26 =	simm.s32 $0x9;
	_ =	strace $0x80000048  }
0xb2: {  	_ =	swait.ge [sflag:s26], $0x1  }
0xb3: {  	[sflag:s26] =	ssyncadd.s32 $0xFFFFFFFF  }
0xb4: {  	_ =	strace $0x90000048  }
0xb5: {  	_ =	sfence  }
0xb6: {  	s28 =	sld [smem:$0x0];
	_ =	sdelay $0x1  }
0xb7: {  	s29 =	srdreg.scid  }
0xb8: {  	s30 =	sshll.u32 s29, $0xD;
	s31 =	sshrl.u32 s29, $0x2  }
0xb9: {  	s1 =	sand.u32 $0x1, s29;
	s2 =	sand.u32 $0x4000, s30;
	s0 =	sadd.s32 s31, s28  }
0xba: {  	s1 =	sor.u32 s2, s1;
	s0 =	sshll.u32 s0, $0x11  }
0xbb: {  	s0 =	sor.u32 s0, s1  }
0xbc: {  	s0 =	sadd.s32 $0x8F2B, s0  }
0xbd: {  	[sflag:s0] =	ssyncadd.remote.s32 $0x1  }
0xbe: {  	_ =	sfence.sel $0xFFFF  }
0xbf: {  	[dreg:$0x0] =	wrdreg $0xFFFFFFFF;
	(pc) =	sbr.abs _section_cstart, $3  }
0xc0: {  	[dreg:$0x1] =	wrdreg $0xFFFFFFFF  }
0xc1: {  	_ =	task.clear_ibuf [dreg:s6], $0x2FFFF;
	_ =	strace $0x9FFFFFFF  }
0xc2: {  	(tm) =	ssettm $0x7FFFFFFF  }
0xc3: {  	_ =	shalt  }
tec
execute0_lowered:
.L_overlay_start_1:
0x0: {  	(tag) =	ssettag $0x1  }
0x1: {  	s2 =	rddreg [dreg:$0x0]  }
0x2: {  	s3 =	rddreg [dreg:$0x1];
	s1 =	stileid.u32  }
0x3: {  	s4 =	rddreg [dreg:$0x2];
	s6 =	sshll.u32 s1, $0xA;
	s7 =	sshll.u32 s1, $0x2  }
0x4: {  	s0 =	rddreg [dreg:$0x3];
	s5 =	simm.s32 $0x0;
	s6 =	sor.u32 s7, s6  }
0x5: {  	s29 =	simm.s32 $0x80;
	[smem:$0x7FF] =	sst s5;
	s6 =	sand.u32 $0xC30, s6  }
0x6: {  	s8 =	simm.s32 $0x200;
	_ =	strace $0x80000047;
	s2 =	sadd.s32 s2, s6  }
0x7: {  	[tilespmem:s5], [sflag:$0x1] =	stream.strided.gather [hbm4b:s2+s29], $0x800, s8, s29, $0x38;
	[tilespmem:$0x2000] =	vst v63  }
0x8: {  	s31 =	simm.s32 $0x800;
	s30 =	sadd.s32 s3, s6;
	s3 =	simm.s32 $0x1090  }
0x9: {  	v0 =	vimm.f32 $0.0e+00;
	[tilespmem:s31], [sflag:$0x2] =	stream.strided.gather [hbm4b:s30+s29], $0x800, s8, s29, $0x38;
	[tilespmem:$0x2000] =	vst v63  }
0xa: {  	[tilespmem:s3+$0xFFFFFF70] =	vst v0  }
0xb: {  	[tilespmem:s3+$0x0] =	vst v0  }
0xc: {  	s2 =	sadd.s32 $0xC00, s4;
	s4 =	simm.s32 $0x0;
	[tilespmem:s3+$0xFFFFFFF0] =	vst v0  }
.LBB2_1:
0xd: {  	s4 =	sadd.s32 $0x4, s4  }
0xe: {  	[tilespmem:s3+$0xFFFFFF80] =	vst v0;
	s3 =	sadd.s32 $0x100, s3;
	p0 =	slt.u32 s4, $0x3C  }
.Ltmp0:
0xf: {  	[tilespmem:s3+$0xFFFFFF70] =	vst v0;
	(pc) =	sbr.rel @p0 .LBB2_1-.Ltmp0, $3  }
0x10: {  	_ =	sdelay $0x1  }
0x11: {  	[tilespmem:s3+$0x0] =	vst v0  }
0x12: {  	[tilespmem:s3+$0xFFFFFFF0] =	vst v0  }
0x13: {  	[tilespmem:s3+$0xFFFFFF80] =	vst v0;
	s30 =	simm.s32 $0x1  }
0x14: {  	_ =	swait.ge [sflag:s30], $0x800  }
0x15: {  	[sflag:s30] =	ssyncset.done $0x0  }
0x16: {  	s31 =	simm.s32 $0x2;
	[sflag:s30] =	ssyncadd.s32 $0xFFFFF800  }
0x17: {  	_ =	swait.ge [sflag:s31], $0x800  }
0x18: {  	[sflag:s31] =	ssyncset.done $0x0  }
0x19: {  	s4 =	simm.s32 $0x40;
	[sflag:s31] =	ssyncadd.s32 $0xFFFFF800  }
0x1a: {  	s3 =	simm.s32 $0x840;
	v0 =	vld [tilespmem:s4+$0x30]  }
0x1b: {  	v1 =	vld [tilespmem:s3+$0x30]  }
0x1c: {  	v3 =	vld [tilespmem:s4+$0xFFFFFFD0]  }
0x1d: {  	v9 =	vld [tilespmem:s3+$0xFFFFFFF0]  }
0x1e: {  	v10 =	vld [tilespmem:s3+$0x0]  }
0x1f: {  	v57 =	vld [tilespmem:s4+$0x0]  }
0x20: {  	v4 =	vld [tilespmem:s3+$0xFFFFFFD0]  }
0x21: {  	v5 =	vld [tilespmem:s4+$0xFFFFFFE0]  }
0x22: {  	v6 =	vld [tilespmem:s3+$0xFFFFFFE0];
	v8 =	vand.u32 $0xFFFFFF80, v1;
	v0 =	vshll.u32 v0, $0x7;
	v1 =	vand.u32 $0x7F, v1  }
0x23: {  	v7 =	vld [tilespmem:s4+$0xFFFFFFF0];
	v3 =	vshll.u32 v3, $0x7;
	v58 =	vand.u32 $0xFFFFFF80, v9;
	v60 =	vand.u32 $0xFFFFFF80, v10  }
0x24: {  	v2 =	vld [tilespmem:s3+$0xFFFFFFC0];
	v10 =	vand.u32 $0x7F, v10;
	v0 =	vadd.s32 v0, v8;
	v8 =	vshll.u32 v57, $0x7  }
0x25: {  	v11 =	vld [tilespmem:s3+$0x10];
	v1 =	vor.u32 v1, v0;
	v0 =	vand.u32 $0xFFFFFF80, v4;
	v4 =	vand.u32 $0x7F, v4  }
0x26: {  	v12 =	vld [tilespmem:s4+$0x20];
	v8 =	vadd.s32 v8, v60;
	v0 =	vadd.s32 v3, v0;
	v3 =	vshll.u32 v5, $0x7  }
0x27: {  	v5 =	vld [tilespmem:s4+$0x10];
	v8 =	vor.u32 v10, v8;
	v4 =	vor.u32 v4, v0;
	v0 =	vand.u32 $0xFFFFFF80, v6  }
0x28: {  	v59 =	vld [tilespmem:s3+$0x20];
	v6 =	vand.u32 $0x7F, v6;
	v0 =	vadd.s32 v3, v0;
	v3 =	vshll.u32 v7, $0x7  }
0x29: {  	v13 =	vld [tilespmem:s4+$0xFFFFFFC0];
	v6 =	vor.u32 v6, v0;
	v0 =	vand.u32 $0x7F, v9;
	v3 =	vadd.s32 v3, v58  }
0x2a: {  	v3 =	vor.u32 v0, v3  }
0x2b: {  	v61 =	vand.u32 $0xFFFFFF80, v11;
	s4 =	simm.s32 $0x1000;
	v0 =	vimm.f32 $1.000000000e+00  }
0x2c: {  	v62 =	vand.u32 $0xFFFFFF80, v2;
	v63 =	vand.u32 $0x7F, v2;
	v5 =	vshll.u32 v5, $0x7;
	[tilespmem:v1+s4+$0x0] =	vst.idx.add.f32.msk $0xffff, v0  }
0x2d: {  	v2 =	vshll.u32 v12, $0x7;
	v1 =	vand.u32 $0x7F, v11;
	[tilespmem:v8+s4+$0x0] =	vst.idx.add.f32.msk $0xffff, v0;
	v5 =	vadd.s32 v5, v61  }
0x2e: {  	[tilespmem:v4+s4+$0x0] =	vst.idx.add.f32.msk $0xffff, v0;
	v4 =	vand.u32 $0xFFFFFF80, v59;
	v1 =	vor.u32 v1, v5;
	v5 =	vshll.u32 v13, $0x7  }
0x2f: {  	v2 =	vadd.s32 v2, v4;
	v4 =	vadd.s32 v5, v62;
	[tilespmem:v3+s4+$0x0] =	vst.idx.add.f32.msk $0xffff, v0;
	v3 =	vand.u32 $0x7F, v59  }
0x30: {  	s5 =	simm.s32 $0x0;
	s6 =	simm.s32 $0xC0;
	[tilespmem:v6+s4+$0x0] =	vst.idx.add.f32.msk $0xffff, v0;
	v2 =	vor.u32 v3, v2;
	v3 =	vor.u32 v63, v4  }
.LBB2_3:
0x31: {  	v4 =	vld [tilespmem:s6+$0x30];
	s3 =	sadd.s32 $0x80, s3  }
0x32: {  	s5 =	sadd.s32 $0x8, s5;
	v5 =	vld [tilespmem:s3+$0x30]  }
0x33: {  	p0 =	slt.u32 s5, $0x78;
	v6 =	vld [tilespmem:s3+$0xFFFFFFC0]  }
0x34: {  	v7 =	vld [tilespmem:s6+$0xFFFFFFD0]  }
0x35: {  	v8 =	vld [tilespmem:s3+$0xFFFFFFD0]  }
0x36: {  	v9 =	vld [tilespmem:s6+$0xFFFFFFE0]  }
0x37: {  	v4 =	vshll.u32 v4, $0x7;
	v10 =	vld [tilespmem:s3+$0xFFFFFFE0];
	v11 =	vand.u32 $0xFFFFFF80, v5  }
0x38: {  	v5 =	vand.u32 $0x7F, v5;
	v12 =	vand.u32 $0xFFFFFF80, v6;
	v13 =	vld [tilespmem:s6+$0xFFFFFFF0];
	v4 =	vadd.s32 v4, v11  }
0x39: {  	v6 =	vand.u32 $0x7F, v6;
	v7 =	vshll.u32 v7, $0x7;
	v11 =	vld [tilespmem:s3+$0xFFFFFFF0];
	v4 =	vor.u32 v5, v4  }
0x3a: {  	v5 =	vand.u32 $0xFFFFFF80, v8;
	v8 =	vand.u32 $0x7F, v8;
	v14 =	vld [tilespmem:s6+$0x0]  }
0x3b: {  	v5 =	vadd.s32 v7, v5;
	v7 =	vshll.u32 v9, $0x7;
	v9 =	vld [tilespmem:s3+$0x0]  }
0x3c: {  	v5 =	vor.u32 v8, v5;
	v8 =	vand.u32 $0xFFFFFF80, v10;
	v10 =	vand.u32 $0x7F, v10;
	v15 =	vld [tilespmem:s6+$0x10]  }
0x3d: {  	v7 =	vadd.s32 v7, v8;
	v8 =	vshll.u32 v13, $0x7;
	v13 =	vld [tilespmem:s3+$0x10]  }
0x3e: {  	v7 =	vor.u32 v10, v7;
	v10 =	vand.u32 $0xFFFFFF80, v11;
	v11 =	vand.u32 $0x7F, v11;
	[tilespmem:v4+s4+$0x0] =	vst.idx.add.f32.msk $0xffff, v0  }
0x3f: {  	v4 =	vadd.s32 v8, v10;
	v8 =	vshll.u32 v14, $0x7;
	v10 =	vld [tilespmem:s6+$0x20]  }
0x40: {  	v4 =	vor.u32 v11, v4;
	v11 =	vand.u32 $0xFFFFFF80, v9;
	v9 =	vand.u32 $0x7F, v9;
	v14 =	vld [tilespmem:s3+$0x20]  }
0x41: {  	v16 =	vld [tilespmem:s6+$0xFFFFFFC0];
	v8 =	vadd.s32 v8, v11;
	v11 =	vshll.u32 v15, $0x7  }
0x42: {  	v8 =	vor.u32 v9, v8;
	v9 =	vand.u32 $0xFFFFFF80, v13;
	v13 =	vand.u32 $0x7F, v13;
	[tilespmem:v3+s4+$0x0] =	vst.idx.add.f32.msk $0xffff, v0  }
0x43: {  	[tilespmem:v5+s4+$0x0] =	vst.idx.add.f32.msk $0xffff, v0;
	v3 =	vadd.s32 v11, v9  }
.Ltmp1:
0x44: {  	[tilespmem:v7+s4+$0x0] =	vst.idx.add.f32.msk $0xffff, v0;
	v3 =	vor.u32 v13, v3;
	v5 =	vshll.u32 v10, $0x7;
	(pc) =	sbr.rel @p0 .LBB2_3-.Ltmp1, $4  }
0x45: {  	[tilespmem:v4+s4+$0x0] =	vst.idx.add.f32.msk $0xffff, v0;
	v4 =	vand.u32 $0xFFFFFF80, v14;
	v7 =	vand.u32 $0x7F, v14  }
0x46: {  	v9 =	vshll.u32 v16, $0x7;
	v4 =	vadd.s32 v5, v4;
	[tilespmem:v1+s4+$0x0] =	vst.idx.add.f32.msk $0xffff, v0;
	v1 =	vmov v3  }
0x47: {  	v3 =	vadd.s32 v9, v12;
	[tilespmem:v8+s4+$0x0] =	vst.idx.add.f32.msk $0xffff, v0;
	v4 =	vor.u32 v7, v4  }
0x48: {  	s6 =	sadd.s32 $0x80, s6;
	v3 =	vor.u32 v6, v3;
	[tilespmem:v2+s4+$0x0] =	vst.idx.add.f32.msk $0xffff, v0;
	v2 =	vmov v4  }
0x49: {  	_ =	sdelay $0x3  }
0x4a: {  	[tilespmem:v3+s4+$0x0] =	vst.idx.add.f32.msk $0xffff, v0  }
0x4b: {  	[tilespmem:v1+s4+$0x0] =	vst.idx.add.f32.msk $0xffff, v0;
	s3 =	sshll.u32 s1, $0x9;
	s29 =	simm.s32 $0x0  }
0x4c: {  	[tilespmem:v2+s4+$0x0] =	vst.idx.add.f32.msk $0xffff, v0;
	s30 =	simm.s32 $0x1000;
	s31 =	simm.s32 $0x3;
	s2 =	sadd.s32 s2, s3  }
0x4d: {  	[hbm4b:s2+s29] =	stream.linear.scatter [tilespmem:s30], [sflag:$0x3], $0x1000, $0x38;
	[tilespmem:$0x2000] =	vst v63  }
0x4e: {  	_ =	swait.ge [sflag:s31], $0x1000  }
0x4f: {  	[sflag:s31] =	ssyncset.done $0x0  }
0x50: {  	[sflag:s31] =	ssyncadd.s32 $0xFFFFF000  }
0x51: {  	_ =	sfence.sel $0x180000  }
0x52: {  	[bflag:$0x0] =	sbarrier.arrive $0xFFFF  }
0x53: {  	p0 =	sne.s32 s1, $0x0;
	_ =	strace $0x90000047  }
0x54: {  	s0 =	sadd.s32 @!p0 $0x100000, s0;
	[bflag:$0x2] =	sbarrier.arrive $0xFFFF  }
0x55: {  	[sflag:s0] =	ssyncadd.tile.s32 @!p0 $0x1;
	_ =	shalt  }
.Lfunc_end2:
_tile_overlayer_lowered:
.L_overlay_start_2:
0x56: {  	(tag) =	ssettag $0x2  }
0x57: {  	s0 =	rddreg [dreg:$0x0];
	s2 =	stileid.u32  }
0x58: {  	s1 =	rddreg [dreg:$0x1];
	p0 =	sne.s32 s2, $0x0  }
0x59: {  	s3 =	rddreg [dreg:$0x2];
	[bflag:$0x3] =	sbarrier.arrive $0xFFFF;
	s2 =	simm.s32 @!p0 $0x1C03  }
0x5a: {  	[timem:s3], [sflag:s2] =	dma.local @!p0 [hbm:s0], s1  }
0x5b: {  	s0 =	simm.s32 @!p0 $0x3  }
0x5c: {  	_ =	swait.ge @!p0 [sflag:s0], s1  }
0x5d: {  	s1 =	ssub.s32 @!p0 $0x0, s1;
	[sflag:s0] =	ssyncset.done @!p0 $0x0  }
0x5e: {  	[sflag:s0] =	ssyncadd.s32 @!p0 s1  }
0x5f: {  	[bflag:$0x3] =	sbarrier.arrive $0xFFFF  }
0x60: {  	_ =	shalt  }

</sc_bundles>
